<compile_context>
chip_gen: v7x
topology: tpu7x:2x2x1
jax: 0.10.2.dev20260603
libtpu: 0.0.44.dev20260713+nightly
codegen_flags: <defaults>
</compile_context>

<pallas_src>
import functools

import jax
import jax.numpy as jnp
from jax import lax
from jax.experimental import pallas as pl
from jax.experimental.pallas import tpu as pltpu
from jax.experimental.pallas import tpu_sc as plsc

NC, NS = 2, 16
NW = NC * NS
F = 20
DH = 64
BC = 20480
PER_W = BC // NW
FACTS_W = PER_W * F
G = 4
GF = G * F
NGRP = PER_W // G
NPAIR = NGRP // 2

_mesh = plsc.VectorSubcoreMesh(
    core_axis_name="c", subcore_axis_name="s", num_cores=NC, num_subcores=NS
)
_sc_params = pltpu.CompilerParams(use_tc_tiling_on_sc=False)



def _eproj_body(e_ref, w_ref, out_ref):
    out_ref[...] = jnp.dot(
        e_ref[...], w_ref[...], preferred_element_type=jnp.float32
    )


_eproj = pl.pallas_call(
    _eproj_body,
    grid=(25,),
    in_specs=[
        pl.BlockSpec((4000, 32), lambda i: (i, 0)),
        pl.BlockSpec((32, DH), lambda i: (0, 0)),
    ],
    out_specs=pl.BlockSpec((4000, DH), lambda i: (i, 0)),
    out_shape=jax.ShapeDtypeStruct((100000, DH), jnp.float32),
)


def _pproj_body(p_ref, w_ref, b_ref, out_ref):
    out_ref[...] = (
        jnp.dot(p_ref[...], w_ref[...], preferred_element_type=jnp.float32)
        + b_ref[...]
    )


_pproj = pl.pallas_call(
    _pproj_body,
    out_shape=jax.ShapeDtypeStruct((1000, DH), jnp.float32),
)



@functools.partial(
    pl.kernel,
    out_type=(
        jax.ShapeDtypeStruct((BC, F), jnp.int32),
        jax.ShapeDtypeStruct((BC, F), jnp.int32),
    ),
    mesh=_mesh,
    compiler_params=_sc_params,
    scratch_types=[
        pltpu.VMEM((PER_W,), jnp.int32),
        pltpu.VMEM((PER_W, F), jnp.int32),
        pltpu.VMEM((PER_W, F), jnp.int32),
        pltpu.SemaphoreType.DMA,
    ],
)
def _sc_kb(cand_hbm, kbp_hbm, kbo_hbm, pidx_hbm, oidx_hbm,
           cand_v, kbp, kbo, sem):
    wid = lax.axis_index("s") * NC + lax.axis_index("c")
    base = wid * PER_W

    pltpu.sync_copy(cand_hbm.at[pl.ds(base, PER_W)], cand_v)

    copies = []
    for j in range(PER_W // 128):
        idx = cand_v.at[pl.ds(j * 128, 128)]
        dst = pl.ds(j * 128, 128)
        copies.append(pltpu.async_copy(kbp_hbm.at[idx], kbp.at[dst, :], sem))
        copies.append(pltpu.async_copy(kbo_hbm.at[idx], kbo.at[dst, :], sem))
    for cp in copies:
        cp.wait()

    rows = pl.ds(base, PER_W)
    pltpu.sync_copy(kbp, pidx_hbm.at[rows, :])
    pltpu.sync_copy(kbo, oidx_hbm.at[rows, :])



@functools.partial(
    pl.kernel,
    out_type=jax.ShapeDtypeStruct((BC, DH), jnp.float32),
    mesh=_mesh,
    compiler_params=_sc_params,
    scratch_types=[
        pltpu.VMEM((FACTS_W,), jnp.int32),
        pltpu.VMEM((FACTS_W,), jnp.int32),
        pltpu.VMEM((GF, DH), jnp.float32),
        pltpu.VMEM((GF, DH), jnp.float32),
        pltpu.VMEM((GF, DH), jnp.float32),
        pltpu.VMEM((GF, DH), jnp.float32),
        pltpu.VMEM((PER_W, DH), jnp.float32),
        pltpu.SMEM((1,), jnp.int32),
        pltpu.SemaphoreType.DMA,
        pltpu.SemaphoreType.DMA,
    ],
)
def _sc_main(pidx_hbm, oidx_hbm, pproj_hbm, eproj_hbm, out_hbm,
             pidx, oidx, pbuf0, pbuf1, ebuf0, ebuf1,
             outbuf, gctr, sem0, sem1):
    wid = lax.axis_index("s") * NC + lax.axis_index("c")
    base = wid * PER_W
    fbase = wid * FACTS_W

    pltpu.sync_copy(pidx_hbm.at[pl.ds(fbase, FACTS_W)], pidx)
    pltpu.sync_copy(oidx_hbm.at[pl.ds(fbase, FACTS_W)], oidx)

    def issue(g, pbuf, ebuf, sem):
        descs = []
        off = g * GF
        for v in range(GF // 16):
            pv = pidx[pl.ds(off + v * 16, 16)]
            ov = oidx[pl.ds(off + v * 16, 16)]
            dst = pl.ds(v * 16, 16)
            descs.append(pltpu.async_copy(pproj_hbm.at[pv], pbuf.at[dst, :], sem))
            descs.append(pltpu.async_copy(eproj_hbm.at[ov], ebuf.at[dst, :], sem))
        return descs

    def compute(g, pbuf, ebuf):
        zero = jnp.zeros((16,), jnp.float32)
        for j in range(G):
            i = g * G + j
            acc = [zero, zero, zero, zero]
            for f in range(F):
                r = j * F + f
                for q in range(4):
                    d = pl.ds(q * 16, 16)
                    acc[q] = jnp.maximum(acc[q], pbuf[r, d] + ebuf[r, d])
            for q in range(4):
                outbuf[i, pl.ds(q * 16, 16)] = acc[q]

    gctr[0] = 0

    @plsc.parallel_loop(0, NGRP, 2)
    def _loop(g0):
        d0 = issue(g0, pbuf0, ebuf0, sem0)
        d1 = issue(g0 + 1, pbuf1, ebuf1, sem1)
        for d in d0:
            d.wait()
        compute(g0, pbuf0, ebuf0)
        for d in d1:
            d.wait()
        compute(g0 + 1, pbuf1, ebuf1)

    pltpu.sync_copy(outbuf, out_hbm.at[pl.ds(base, PER_W)])


def kernel(candidates, preds_kb, objs_kb, p_emb, e_emb, W, b):
    p_proj = _pproj(p_emb, W[:16], b.reshape(1, DH))
    e_proj = _eproj(e_emb, W[16:])
    cand = candidates.reshape(-1)
    pidx, oidx = _sc_kb(cand, preds_kb, objs_kb)
    vals = jnp.take(p_proj, pidx, axis=0) + jnp.take(e_proj, oidx, axis=0)
    out = jnp.maximum(jnp.max(vals, axis=1), 0.0)
    return out.reshape(candidates.shape[0], candidates.shape[1], DH)

# --- scband reference (transcript-rebuilt; emitter-appended) ---
"""Pipeline reference for scband-entity-embbeder-kb-24790551232626 (READ-ONLY COPY).

The authoritative reference and input builder live on the scoring server;
editing this copy changes nothing except your own understanding.
"""

import jax, jax.numpy as jnp
import numpy as np

NUM_ENTITIES = 100000
NUM_PREDICATES = 1000
MAX_FACTS = 20
DIM_PRED = 16
DIM_ENTS = 32
DIM_HIDDEN = 64
B, C = 1024, 20


def setup_inputs(seed: int = 0) -> dict:
    key = jax.random.key(seed)
    ks = jax.random.split(key, 7)
    candidates = jax.random.randint(ks[0], (B, C), 0, NUM_ENTITIES, dtype=jnp.int32)
    # KB structure: per-entity padded lists of predicate ids and object-entity ids
    preds_kb = jax.random.randint(ks[1], (NUM_ENTITIES, MAX_FACTS), 0, NUM_PREDICATES, dtype=jnp.int32)
    objs_kb = jax.random.randint(ks[2], (NUM_ENTITIES, MAX_FACTS), 0, NUM_ENTITIES, dtype=jnp.int32)
    # learned parameters
    p_emb = jax.random.normal(ks[3], (NUM_PREDICATES, DIM_PRED), dtype=jnp.float32) * 0.02
    e_emb = jax.random.normal(ks[4], (NUM_ENTITIES, DIM_ENTS), dtype=jnp.float32) * 0.02
    W = jax.random.normal(ks[5], (DIM_PRED + DIM_ENTS, DIM_HIDDEN), dtype=jnp.float32) * 0.05
    b = jnp.zeros((DIM_HIDDEN,), dtype=jnp.float32)
    return {"candidates": candidates, "preds_kb": preds_kb, "objs_kb": objs_kb,
            "p_emb": p_emb, "e_emb": e_emb, "W": W, "b": b}


def reference(candidates, preds_kb, objs_kb, p_emb, e_emb, W, b):
    # candidate -> entity facts (padded to MAX_FACTS), mirroring _padding + dict lookup
    p_idx = jnp.take(preds_kb, candidates, axis=0)   # [B, C, F]
    e_idx = jnp.take(objs_kb, candidates, axis=0)    # [B, C, F]
    # embedding gathers (nn.Embedding equivalents)
    p_vecs = jnp.take(p_emb, p_idx, axis=0)          # [B, C, F, DIM_PRED]
    e_vecs = jnp.take(e_emb, e_idx, axis=0)          # [B, C, F, DIM_ENTS]
    vecs = jnp.concatenate((p_vecs, e_vecs), axis=-1)
    vecs = jnp.maximum(jnp.dot(vecs, W) + b, 0.0)    # Linear + ReLU
    vecs = jnp.max(vecs, axis=2)                     # max over facts dim
    # index_select back to candidate layout is identity here (per-candidate compute)
    return vecs                                      # [B, C, DIM_HIDDEN]

if __name__ == "__main__":
    import jax
    _d = setup_inputs()
    print(jax.jit(kernel)(*tuple(_d.values())))

</pallas_src>

<mosaic_0001>
#map = affine_map<(d0, d1) -> (0)>
#map1 = affine_map<(d0, d1) -> (0, 0)>
module attributes {stable_mosaic.version = 14 : i64} {
  func.func @_sc_kb(%arg0: i32, %arg1: i32, %arg2: memref<20480xi32, #tpu.memory_space<hbm>>, %arg3: memref<100000x20xi32, #tpu.memory_space<hbm>>, %arg4: memref<100000x20xi32, #tpu.memory_space<hbm>>, %arg5: memref<20480x20xi32, #tpu.memory_space<hbm>>, %arg6: memref<20480x20xi32, #tpu.memory_space<hbm>>, %arg7: memref<640xi32, #tpu.memory_space<vmem>>, %arg8: memref<640x20xi32, #tpu.memory_space<vmem>>, %arg9: memref<640x20xi32, #tpu.memory_space<vmem>>, %arg10: memref<!tpu.dma_semaphore, #tpu.memory_space<semaphore_mem>>) attributes {dimension_semantics = [#tpu.dimension_semantics<core_parallel>, #tpu.dimension_semantics<subcore_parallel>], iteration_bounds = array<i64: 2, 16>, scalar_prefetch = 0 : i64, scratch_operands = 4 : i64, tpu.core_type = #tpu.core_type<sc_vector_subcore>, window_params = [{transform_indices = #map}, {transform_indices = #map1}, {transform_indices = #map1}, {transform_indices = #map1}, {transform_indices = #map1}]} {
    %mul3A = arith.constant 2 : i32
    %mul3A_0 = arith.muli %arg1, %mul3A : i32
    %add3A = arith.addi %mul3A_0, %arg0 : i32
    %mul3A_1 = arith.constant 640 : i32
    %mul3A_2 = arith.muli %add3A, %mul3A_1 : i32
    "tpu.region"() ({
      %run_scoped3A = tpu.sem_alloc : memref<!tpu.dma_semaphore, #tpu.memory_space<semaphore_mem>>
      %dma_start3A_161 = tpu.memref_slice %arg2[%mul3A_2] : memref<20480xi32, #tpu.memory_space<hbm>> -> memref<640xi32, #tpu.memory_space<hbm>>
      %dma_start3A_162 = tpu.memref_slice %arg2[%mul3A_2] : memref<20480xi32, #tpu.memory_space<hbm>> -> memref<640xi32, #tpu.memory_space<hbm>>
      tpu.enqueue_dma source(%dma_start3A_162 : memref<640xi32, #tpu.memory_space<hbm>>) target(%arg7 : memref<640xi32, #tpu.memory_space<vmem>>) target_semaphore(%run_scoped3A : memref<!tpu.dma_semaphore, #tpu.memory_space<semaphore_mem>>)
      %dma_wait3A_163 = tpu.memref_slice %arg2[%mul3A_2] : memref<20480xi32, #tpu.memory_space<hbm>> -> memref<640xi32, #tpu.memory_space<hbm>>
      %dma_wait3A_164 = tpu.memref_slice %arg2[%mul3A_2] : memref<20480xi32, #tpu.memory_space<hbm>> -> memref<640xi32, #tpu.memory_space<hbm>>
      tpu.wait_dma2 semaphore(%run_scoped3A : memref<!tpu.dma_semaphore, #tpu.memory_space<semaphore_mem>>) src(%dma_wait3A_164 : memref<640xi32, #tpu.memory_space<hbm>>) dst(%arg7 : memref<640xi32, #tpu.memory_space<vmem>>)
      tpu.yield
    }) : () -> ()
    %dma_start3A = arith.constant 0 : i32
    %dma_start3A_3 = arith.constant 0 : i32
    %dma_start3A_4 = tpu.memref_slice %arg8[%dma_start3A, %dma_start3A_3] : memref<640x20xi32, #tpu.memory_space<vmem>> -> memref<128x20xi32, #tpu.memory_space<vmem>>
    %dma_start3A_5 = arith.constant 0 : i32
    %dma_start3A_6 = tpu.memref_slice %arg7[%dma_start3A_5] : memref<640xi32, #tpu.memory_space<vmem>> -> memref<128xi32, #tpu.memory_space<vmem>>
    %dma_start3A_7 = arith.constant 0 : i32
    %dma_start3A_8 = arith.constant 0 : i32
    %dma_start3A_9 = tpu.memref_slice %arg3[%dma_start3A_7, %dma_start3A_8] : memref<100000x20xi32, #tpu.memory_space<hbm>> -> memref<100000x20xi32, #tpu.memory_space<hbm>>
    tpu.enqueue_indirect_dma source(%dma_start3A_9 : memref<100000x20xi32, #tpu.memory_space<hbm>>) target(%dma_start3A_4 : memref<128x20xi32, #tpu.memory_space<vmem>>) offsets(%dma_start3A_6 : memref<128xi32, #tpu.memory_space<vmem>>) semaphore(%arg10 : memref<!tpu.dma_semaphore, #tpu.memory_space<semaphore_mem>>)
    %dma_start3A_10 = arith.constant 0 : i32
    %dma_start3A_11 = arith.constant 0 : i32
    %dma_start3A_12 = tpu.memref_slice %arg9[%dma_start3A_10, %dma_start3A_11] : memref<640x20xi32, #tpu.memory_space<vmem>> -> memref<128x20xi32, #tpu.memory_space<vmem>>
    %dma_start3A_13 = arith.constant 0 : i32
    %dma_start3A_14 = tpu.memref_slice %arg7[%dma_start3A_13] : memref<640xi32, #tpu.memory_space<vmem>> -> memref<128xi32, #tpu.memory_space<vmem>>
    %dma_start3A_15 = arith.constant 0 : i32
    %dma_start3A_16 = arith.constant 0 : i32
    %dma_start3A_17 = tpu.memref_slice %arg4[%dma_start3A_15, %dma_start3A_16] : memref<100000x20xi32, #tpu.memory_space<hbm>> -> memref<100000x20xi32, #tpu.memory_space<hbm>>
    tpu.enqueue_indirect_dma source(%dma_start3A_17 : memref<100000x20xi32, #tpu.memory_space<hbm>>) target(%dma_start3A_12 : memref<128x20xi32, #tpu.memory_space<vmem>>) offsets(%dma_start3A_14 : memref<128xi32, #tpu.memory_space<vmem>>) semaphore(%arg10 : memref<!tpu.dma_semaphore, #tpu.memory_space<semaphore_mem>>)
    %dma_start3A_18 = arith.constant 128 : i32
    %dma_start3A_19 = arith.constant 0 : i32
    %dma_start3A_20 = tpu.memref_slice %arg8[%dma_start3A_18, %dma_start3A_19] : memref<640x20xi32, #tpu.memory_space<vmem>> -> memref<128x20xi32, #tpu.memory_space<vmem>>
    %dma_start3A_21 = arith.constant 128 : i32
    %dma_start3A_22 = tpu.memref_slice %arg7[%dma_start3A_21] : memref<640xi32, #tpu.memory_space<vmem>> -> memref<128xi32, #tpu.memory_space<vmem>>
    %dma_start3A_23 = arith.constant 0 : i32
    %dma_start3A_24 = arith.constant 0 : i32
    %dma_start3A_25 = tpu.memref_slice %arg3[%dma_start3A_23, %dma_start3A_24] : memref<100000x20xi32, #tpu.memory_space<hbm>> -> memref<100000x20xi32, #tpu.memory_space<hbm>>
    tpu.enqueue_indirect_dma source(%dma_start3A_25 : memref<100000x20xi32, #tpu.memory_space<hbm>>) target(%dma_start3A_20 : memref<128x20xi32, #tpu.memory_space<vmem>>) offsets(%dma_start3A_22 : memref<128xi32, #tpu.memory_space<vmem>>) semaphore(%arg10 : memref<!tpu.dma_semaphore, #tpu.memory_space<semaphore_mem>>)
    %dma_start3A_26 = arith.constant 128 : i32
    %dma_start3A_27 = arith.constant 0 : i32
    %dma_start3A_28 = tpu.memref_slice %arg9[%dma_start3A_26, %dma_start3A_27] : memref<640x20xi32, #tpu.memory_space<vmem>> -> memref<128x20xi32, #tpu.memory_space<vmem>>
    %dma_start3A_29 = arith.constant 128 : i32
    %dma_start3A_30 = tpu.memref_slice %arg7[%dma_start3A_29] : memref<640xi32, #tpu.memory_space<vmem>> -> memref<128xi32, #tpu.memory_space<vmem>>
    %dma_start3A_31 = arith.constant 0 : i32
    %dma_start3A_32 = arith.constant 0 : i32
    %dma_start3A_33 = tpu.memref_slice %arg4[%dma_start3A_31, %dma_start3A_32] : memref<100000x20xi32, #tpu.memory_space<hbm>> -> memref<100000x20xi32, #tpu.memory_space<hbm>>
    tpu.enqueue_indirect_dma source(%dma_start3A_33 : memref<100000x20xi32, #tpu.memory_space<hbm>>) target(%dma_start3A_28 : memref<128x20xi32, #tpu.memory_space<vmem>>) offsets(%dma_start3A_30 : memref<128xi32, #tpu.memory_space<vmem>>) semaphore(%arg10 : memref<!tpu.dma_semaphore, #tpu.memory_space<semaphore_mem>>)
    %dma_start3A_34 = arith.constant 256 : i32
    %dma_start3A_35 = arith.constant 0 : i32
    %dma_start3A_36 = tpu.memref_slice %arg8[%dma_start3A_34, %dma_start3A_35] : memref<640x20xi32, #tpu.memory_space<vmem>> -> memref<128x20xi32, #tpu.memory_space<vmem>>
    %dma_start3A_37 = arith.constant 256 : i32
    %dma_start3A_38 = tpu.memref_slice %arg7[%dma_start3A_37] : memref<640xi32, #tpu.memory_space<vmem>> -> memref<128xi32, #tpu.memory_space<vmem>>
    %dma_start3A_39 = arith.constant 0 : i32
    %dma_start3A_40 = arith.constant 0 : i32
    %dma_start3A_41 = tpu.memref_slice %arg3[%dma_start3A_39, %dma_start3A_40] : memref<100000x20xi32, #tpu.memory_space<hbm>> -> memref<100000x20xi32, #tpu.memory_space<hbm>>
    tpu.enqueue_indirect_dma source(%dma_start3A_41 : memref<100000x20xi32, #tpu.memory_space<hbm>>) target(%dma_start3A_36 : memref<128x20xi32, #tpu.memory_space<vmem>>) offsets(%dma_start3A_38 : memref<128xi32, #tpu.memory_space<vmem>>) semaphore(%arg10 : memref<!tpu.dma_semaphore, #tpu.memory_space<semaphore_mem>>)
    %dma_start3A_42 = arith.constant 256 : i32
    %dma_start3A_43 = arith.constant 0 : i32
    %dma_start3A_44 = tpu.memref_slice %arg9[%dma_start3A_42, %dma_start3A_43] : memref<640x20xi32, #tpu.memory_space<vmem>> -> memref<128x20xi32, #tpu.memory_space<vmem>>
    %dma_start3A_45 = arith.constant 256 : i32
    %dma_start3A_46 = tpu.memref_slice %arg7[%dma_start3A_45] : memref<640xi32, #tpu.memory_space<vmem>> -> memref<128xi32, #tpu.memory_space<vmem>>
    %dma_start3A_47 = arith.constant 0 : i32
    %dma_start3A_48 = arith.constant 0 : i32
    %dma_start3A_49 = tpu.memref_slice %arg4[%dma_start3A_47, %dma_start3A_48] : memref<100000x20xi32, #tpu.memory_space<hbm>> -> memref<100000x20xi32, #tpu.memory_space<hbm>>
    tpu.enqueue_indirect_dma source(%dma_start3A_49 : memref<100000x20xi32, #tpu.memory_space<hbm>>) target(%dma_start3A_44 : memref<128x20xi32, #tpu.memory_space<vmem>>) offsets(%dma_start3A_46 : memref<128xi32, #tpu.memory_space<vmem>>) semaphore(%arg10 : memref<!tpu.dma_semaphore, #tpu.memory_space<semaphore_mem>>)
    %dma_start3A_50 = arith.constant 384 : i32
    %dma_start3A_51 = arith.constant 0 : i32
    %dma_start3A_52 = tpu.memref_slice %arg8[%dma_start3A_50, %dma_start3A_51] : memref<640x20xi32, #tpu.memory_space<vmem>> -> memref<128x20xi32, #tpu.memory_space<vmem>>
    %dma_start3A_53 = arith.constant 384 : i32
    %dma_start3A_54 = tpu.memref_slice %arg7[%dma_start3A_53] : memref<640xi32, #tpu.memory_space<vmem>> -> memref<128xi32, #tpu.memory_space<vmem>>
    %dma_start3A_55 = arith.constant 0 : i32
    %dma_start3A_56 = arith.constant 0 : i32
    %dma_start3A_57 = tpu.memref_slice %arg3[%dma_start3A_55, %dma_start3A_56] : memref<100000x20xi32, #tpu.memory_space<hbm>> -> memref<100000x20xi32, #tpu.memory_space<hbm>>
    tpu.enqueue_indirect_dma source(%dma_start3A_57 : memref<100000x20xi32, #tpu.memory_space<hbm>>) target(%dma_start3A_52 : memref<128x20xi32, #tpu.memory_space<vmem>>) offsets(%dma_start3A_54 : memref<128xi32, #tpu.memory_space<vmem>>) semaphore(%arg10 : memref<!tpu.dma_semaphore, #tpu.memory_space<semaphore_mem>>)
    %dma_start3A_58 = arith.constant 384 : i32
    %dma_start3A_59 = arith.constant 0 : i32
    %dma_start3A_60 = tpu.memref_slice %arg9[%dma_start3A_58, %dma_start3A_59] : memref<640x20xi32, #tpu.memory_space<vmem>> -> memref<128x20xi32, #tpu.memory_space<vmem>>
    %dma_start3A_61 = arith.constant 384 : i32
    %dma_start3A_62 = tpu.memref_slice %arg7[%dma_start3A_61] : memref<640xi32, #tpu.memory_space<vmem>> -> memref<128xi32, #tpu.memory_space<vmem>>
    %dma_start3A_63 = arith.constant 0 : i32
    %dma_start3A_64 = arith.constant 0 : i32
    %dma_start3A_65 = tpu.memref_slice %arg4[%dma_start3A_63, %dma_start3A_64] : memref<100000x20xi32, #tpu.memory_space<hbm>> -> memref<100000x20xi32, #tpu.memory_space<hbm>>
    tpu.enqueue_indirect_dma source(%dma_start3A_65 : memref<100000x20xi32, #tpu.memory_space<hbm>>) target(%dma_start3A_60 : memref<128x20xi32, #tpu.memory_space<vmem>>) offsets(%dma_start3A_62 : memref<128xi32, #tpu.memory_space<vmem>>) semaphore(%arg10 : memref<!tpu.dma_semaphore, #tpu.memory_space<semaphore_mem>>)
    %dma_start3A_66 = arith.constant 512 : i32
    %dma_start3A_67 = arith.constant 0 : i32
    %dma_start3A_68 = tpu.memref_slice %arg8[%dma_start3A_66, %dma_start3A_67] : memref<640x20xi32, #tpu.memory_space<vmem>> -> memref<128x20xi32, #tpu.memory_space<vmem>>
    %dma_start3A_69 = arith.constant 512 : i32
    %dma_start3A_70 = tpu.memref_slice %arg7[%dma_start3A_69] : memref<640xi32, #tpu.memory_space<vmem>> -> memref<128xi32, #tpu.memory_space<vmem>>
    %dma_start3A_71 = arith.constant 0 : i32
    %dma_start3A_72 = arith.constant 0 : i32
    %dma_start3A_73 = tpu.memref_slice %arg3[%dma_start3A_71, %dma_start3A_72] : memref<100000x20xi32, #tpu.memory_space<hbm>> -> memref<100000x20xi32, #tpu.memory_space<hbm>>
    tpu.enqueue_indirect_dma source(%dma_start3A_73 : memref<100000x20xi32, #tpu.memory_space<hbm>>) target(%dma_start3A_68 : memref<128x20xi32, #tpu.memory_space<vmem>>) offsets(%dma_start3A_70 : memref<128xi32, #tpu.memory_space<vmem>>) semaphore(%arg10 : memref<!tpu.dma_semaphore, #tpu.memory_space<semaphore_mem>>)
    %dma_start3A_74 = arith.constant 512 : i32
    %dma_start3A_75 = arith.constant 0 : i32
    %dma_start3A_76 = tpu.memref_slice %arg9[%dma_start3A_74, %dma_start3A_75] : memref<640x20xi32, #tpu.memory_space<vmem>> -> memref<128x20xi32, #tpu.memory_space<vmem>>
    %dma_start3A_77 = arith.constant 512 : i32
    %dma_start3A_78 = tpu.memref_slice %arg7[%dma_start3A_77] : memref<640xi32, #tpu.memory_space<vmem>> -> memref<128xi32, #tpu.memory_space<vmem>>
    %dma_start3A_79 = arith.constant 0 : i32
    %dma_start3A_80 = arith.constant 0 : i32
    %dma_start3A_81 = tpu.memref_slice %arg4[%dma_start3A_79, %dma_start3A_80] : memref<100000x20xi32, #tpu.memory_space<hbm>> -> memref<100000x20xi32, #tpu.memory_space<hbm>>
    tpu.enqueue_indirect_dma source(%dma_start3A_81 : memref<100000x20xi32, #tpu.memory_space<hbm>>) target(%dma_start3A_76 : memref<128x20xi32, #tpu.memory_space<vmem>>) offsets(%dma_start3A_78 : memref<128xi32, #tpu.memory_space<vmem>>) semaphore(%arg10 : memref<!tpu.dma_semaphore, #tpu.memory_space<semaphore_mem>>)
    %dma_wait3A = arith.constant 0 : i32
    %dma_wait3A_82 = arith.constant 0 : i32
    %dma_wait3A_83 = tpu.memref_slice %arg8[%dma_wait3A, %dma_wait3A_82] : memref<640x20xi32, #tpu.memory_space<vmem>> -> memref<128x20xi32, #tpu.memory_space<vmem>>
    %dma_wait3A_84 = arith.constant 0 : i32
    %dma_wait3A_85 = tpu.memref_slice %arg7[%dma_wait3A_84] : memref<640xi32, #tpu.memory_space<vmem>> -> memref<128xi32, #tpu.memory_space<vmem>>
    %dma_wait3A_86 = arith.constant 0 : i32
    %dma_wait3A_87 = arith.constant 0 : i32
    %dma_wait3A_88 = tpu.memref_slice %arg3[%dma_wait3A_86, %dma_wait3A_87] : memref<100000x20xi32, #tpu.memory_space<hbm>> -> memref<100000x20xi32, #tpu.memory_space<hbm>>
    tpu.wait_indirect_dma semaphore(%arg10 : memref<!tpu.dma_semaphore, #tpu.memory_space<semaphore_mem>>) src(%dma_wait3A_88 : memref<100000x20xi32, #tpu.memory_space<hbm>>) dst(%dma_wait3A_83 : memref<128x20xi32, #tpu.memory_space<vmem>>)
    %dma_wait3A_89 = arith.constant 0 : i32
    %dma_wait3A_90 = arith.constant 0 : i32
    %dma_wait3A_91 = tpu.memref_slice %arg9[%dma_wait3A_89, %dma_wait3A_90] : memref<640x20xi32, #tpu.memory_space<vmem>> -> memref<128x20xi32, #tpu.memory_space<vmem>>
    %dma_wait3A_92 = arith.constant 0 : i32
    %dma_wait3A_93 = tpu.memref_slice %arg7[%dma_wait3A_92] : memref<640xi32, #tpu.memory_space<vmem>> -> memref<128xi32, #tpu.memory_space<vmem>>
    %dma_wait3A_94 = arith.constant 0 : i32
    %dma_wait3A_95 = arith.constant 0 : i32
    %dma_wait3A_96 = tpu.memref_slice %arg4[%dma_wait3A_94, %dma_wait3A_95] : memref<100000x20xi32, #tpu.memory_space<hbm>> -> memref<100000x20xi32, #tpu.memory_space<hbm>>
    tpu.wait_indirect_dma semaphore(%arg10 : memref<!tpu.dma_semaphore, #tpu.memory_space<semaphore_mem>>) src(%dma_wait3A_96 : memref<100000x20xi32, #tpu.memory_space<hbm>>) dst(%dma_wait3A_91 : memref<128x20xi32, #tpu.memory_space<vmem>>)
    %dma_wait3A_97 = arith.constant 128 : i32
    %dma_wait3A_98 = arith.constant 0 : i32
    %dma_wait3A_99 = tpu.memref_slice %arg8[%dma_wait3A_97, %dma_wait3A_98] : memref<640x20xi32, #tpu.memory_space<vmem>> -> memref<128x20xi32, #tpu.memory_space<vmem>>
    %dma_wait3A_100 = arith.constant 128 : i32
    %dma_wait3A_101 = tpu.memref_slice %arg7[%dma_wait3A_100] : memref<640xi32, #tpu.memory_space<vmem>> -> memref<128xi32, #tpu.memory_space<vmem>>
    %dma_wait3A_102 = arith.constant 0 : i32
    %dma_wait3A_103 = arith.constant 0 : i32
    %dma_wait3A_104 = tpu.memref_slice %arg3[%dma_wait3A_102, %dma_wait3A_103] : memref<100000x20xi32, #tpu.memory_space<hbm>> -> memref<100000x20xi32, #tpu.memory_space<hbm>>
    tpu.wait_indirect_dma semaphore(%arg10 : memref<!tpu.dma_semaphore, #tpu.memory_space<semaphore_mem>>) src(%dma_wait3A_104 : memref<100000x20xi32, #tpu.memory_space<hbm>>) dst(%dma_wait3A_99 : memref<128x20xi32, #tpu.memory_space<vmem>>)
    %dma_wait3A_105 = arith.constant 128 : i32
    %dma_wait3A_106 = arith.constant 0 : i32
    %dma_wait3A_107 = tpu.memref_slice %arg9[%dma_wait3A_105, %dma_wait3A_106] : memref<640x20xi32, #tpu.memory_space<vmem>> -> memref<128x20xi32, #tpu.memory_space<vmem>>
    %dma_wait3A_108 = arith.constant 128 : i32
    %dma_wait3A_109 = tpu.memref_slice %arg7[%dma_wait3A_108] : memref<640xi32, #tpu.memory_space<vmem>> -> memref<128xi32, #tpu.memory_space<vmem>>
    %dma_wait3A_110 = arith.constant 0 : i32
    %dma_wait3A_111 = arith.constant 0 : i32
    %dma_wait3A_112 = tpu.memref_slice %arg4[%dma_wait3A_110, %dma_wait3A_111] : memref<100000x20xi32, #tpu.memory_space<hbm>> -> memref<100000x20xi32, #tpu.memory_space<hbm>>
    tpu.wait_indirect_dma semaphore(%arg10 : memref<!tpu.dma_semaphore, #tpu.memory_space<semaphore_mem>>) src(%dma_wait3A_112 : memref<100000x20xi32, #tpu.memory_space<hbm>>) dst(%dma_wait3A_107 : memref<128x20xi32, #tpu.memory_space<vmem>>)
    %dma_wait3A_113 = arith.constant 256 : i32
    %dma_wait3A_114 = arith.constant 0 : i32
    %dma_wait3A_115 = tpu.memref_slice %arg8[%dma_wait3A_113, %dma_wait3A_114] : memref<640x20xi32, #tpu.memory_space<vmem>> -> memref<128x20xi32, #tpu.memory_space<vmem>>
    %dma_wait3A_116 = arith.constant 256 : i32
    %dma_wait3A_117 = tpu.memref_slice %arg7[%dma_wait3A_116] : memref<640xi32, #tpu.memory_space<vmem>> -> memref<128xi32, #tpu.memory_space<vmem>>
    %dma_wait3A_118 = arith.constant 0 : i32
    %dma_wait3A_119 = arith.constant 0 : i32
    %dma_wait3A_120 = tpu.memref_slice %arg3[%dma_wait3A_118, %dma_wait3A_119] : memref<100000x20xi32, #tpu.memory_space<hbm>> -> memref<100000x20xi32, #tpu.memory_space<hbm>>
    tpu.wait_indirect_dma semaphore(%arg10 : memref<!tpu.dma_semaphore, #tpu.memory_space<semaphore_mem>>) src(%dma_wait3A_120 : memref<100000x20xi32, #tpu.memory_space<hbm>>) dst(%dma_wait3A_115 : memref<128x20xi32, #tpu.memory_space<vmem>>)
    %dma_wait3A_121 = arith.constant 256 : i32
    %dma_wait3A_122 = arith.constant 0 : i32
    %dma_wait3A_123 = tpu.memref_slice %arg9[%dma_wait3A_121, %dma_wait3A_122] : memref<640x20xi32, #tpu.memory_space<vmem>> -> memref<128x20xi32, #tpu.memory_space<vmem>>
    %dma_wait3A_124 = arith.constant 256 : i32
    %dma_wait3A_125 = tpu.memref_slice %arg7[%dma_wait3A_124] : memref<640xi32, #tpu.memory_space<vmem>> -> memref<128xi32, #tpu.memory_space<vmem>>
    %dma_wait3A_126 = arith.constant 0 : i32
    %dma_wait3A_127 = arith.constant 0 : i32
    %dma_wait3A_128 = tpu.memref_slice %arg4[%dma_wait3A_126, %dma_wait3A_127] : memref<100000x20xi32, #tpu.memory_space<hbm>> -> memref<100000x20xi32, #tpu.memory_space<hbm>>
    tpu.wait_indirect_dma semaphore(%arg10 : memref<!tpu.dma_semaphore, #tpu.memory_space<semaphore_mem>>) src(%dma_wait3A_128 : memref<100000x20xi32, #tpu.memory_space<hbm>>) dst(%dma_wait3A_123 : memref<128x20xi32, #tpu.memory_space<vmem>>)
    %dma_wait3A_129 = arith.constant 384 : i32
    %dma_wait3A_130 = arith.constant 0 : i32
    %dma_wait3A_131 = tpu.memref_slice %arg8[%dma_wait3A_129, %dma_wait3A_130] : memref<640x20xi32, #tpu.memory_space<vmem>> -> memref<128x20xi32, #tpu.memory_space<vmem>>
    %dma_wait3A_132 = arith.constant 384 : i32
    %dma_wait3A_133 = tpu.memref_slice %arg7[%dma_wait3A_132] : memref<640xi32, #tpu.memory_space<vmem>> -> memref<128xi32, #tpu.memory_space<vmem>>
    %dma_wait3A_134 = arith.constant 0 : i32
    %dma_wait3A_135 = arith.constant 0 : i32
    %dma_wait3A_136 = tpu.memref_slice %arg3[%dma_wait3A_134, %dma_wait3A_135] : memref<100000x20xi32, #tpu.memory_space<hbm>> -> memref<100000x20xi32, #tpu.memory_space<hbm>>
    tpu.wait_indirect_dma semaphore(%arg10 : memref<!tpu.dma_semaphore, #tpu.memory_space<semaphore_mem>>) src(%dma_wait3A_136 : memref<100000x20xi32, #tpu.memory_space<hbm>>) dst(%dma_wait3A_131 : memref<128x20xi32, #tpu.memory_space<vmem>>)
    %dma_wait3A_137 = arith.constant 384 : i32
    %dma_wait3A_138 = arith.constant 0 : i32
    %dma_wait3A_139 = tpu.memref_slice %arg9[%dma_wait3A_137, %dma_wait3A_138] : memref<640x20xi32, #tpu.memory_space<vmem>> -> memref<128x20xi32, #tpu.memory_space<vmem>>
    %dma_wait3A_140 = arith.constant 384 : i32
    %dma_wait3A_141 = tpu.memref_slice %arg7[%dma_wait3A_140] : memref<640xi32, #tpu.memory_space<vmem>> -> memref<128xi32, #tpu.memory_space<vmem>>
    %dma_wait3A_142 = arith.constant 0 : i32
    %dma_wait3A_143 = arith.constant 0 : i32
    %dma_wait3A_144 = tpu.memref_slice %arg4[%dma_wait3A_142, %dma_wait3A_143] : memref<100000x20xi32, #tpu.memory_space<hbm>> -> memref<100000x20xi32, #tpu.memory_space<hbm>>
    tpu.wait_indirect_dma semaphore(%arg10 : memref<!tpu.dma_semaphore, #tpu.memory_space<semaphore_mem>>) src(%dma_wait3A_144 : memref<100000x20xi32, #tpu.memory_space<hbm>>) dst(%dma_wait3A_139 : memref<128x20xi32, #tpu.memory_space<vmem>>)
    %dma_wait3A_145 = arith.constant 512 : i32
    %dma_wait3A_146 = arith.constant 0 : i32
    %dma_wait3A_147 = tpu.memref_slice %arg8[%dma_wait3A_145, %dma_wait3A_146] : memref<640x20xi32, #tpu.memory_space<vmem>> -> memref<128x20xi32, #tpu.memory_space<vmem>>
    %dma_wait3A_148 = arith.constant 512 : i32
    %dma_wait3A_149 = tpu.memref_slice %arg7[%dma_wait3A_148] : memref<640xi32, #tpu.memory_space<vmem>> -> memref<128xi32, #tpu.memory_space<vmem>>
    %dma_wait3A_150 = arith.constant 0 : i32
    %dma_wait3A_151 = arith.constant 0 : i32
    %dma_wait3A_152 = tpu.memref_slice %arg3[%dma_wait3A_150, %dma_wait3A_151] : memref<100000x20xi32, #tpu.memory_space<hbm>> -> memref<100000x20xi32, #tpu.memory_space<hbm>>
    tpu.wait_indirect_dma semaphore(%arg10 : memref<!tpu.dma_semaphore, #tpu.memory_space<semaphore_mem>>) src(%dma_wait3A_152 : memref<100000x20xi32, #tpu.memory_space<hbm>>) dst(%dma_wait3A_147 : memref<128x20xi32, #tpu.memory_space<vmem>>)
    %dma_wait3A_153 = arith.constant 512 : i32
    %dma_wait3A_154 = arith.constant 0 : i32
    %dma_wait3A_155 = tpu.memref_slice %arg9[%dma_wait3A_153, %dma_wait3A_154] : memref<640x20xi32, #tpu.memory_space<vmem>> -> memref<128x20xi32, #tpu.memory_space<vmem>>
    %dma_wait3A_156 = arith.constant 512 : i32
    %dma_wait3A_157 = tpu.memref_slice %arg7[%dma_wait3A_156] : memref<640xi32, #tpu.memory_space<vmem>> -> memref<128xi32, #tpu.memory_space<vmem>>
    %dma_wait3A_158 = arith.constant 0 : i32
    %dma_wait3A_159 = arith.constant 0 : i32
    %dma_wait3A_160 = tpu.memref_slice %arg4[%dma_wait3A_158, %dma_wait3A_159] : memref<100000x20xi32, #tpu.memory_space<hbm>> -> memref<100000x20xi32, #tpu.memory_space<hbm>>
    tpu.wait_indirect_dma semaphore(%arg10 : memref<!tpu.dma_semaphore, #tpu.memory_space<semaphore_mem>>) src(%dma_wait3A_160 : memref<100000x20xi32, #tpu.memory_space<hbm>>) dst(%dma_wait3A_155 : memref<128x20xi32, #tpu.memory_space<vmem>>)
    "tpu.region"() ({
      %run_scoped3A = tpu.sem_alloc : memref<!tpu.dma_semaphore, #tpu.memory_space<semaphore_mem>>
      %dma_start3A_161 = arith.constant 0 : i32
      %dma_start3A_162 = tpu.memref_slice %arg5[%mul3A_2, %dma_start3A_161] : memref<20480x20xi32, #tpu.memory_space<hbm>> -> memref<640x20xi32, #tpu.memory_space<hbm>>
      %dma_start3A_163 = arith.constant 0 : i32
      %dma_start3A_164 = tpu.memref_slice %arg5[%mul3A_2, %dma_start3A_163] : memref<20480x20xi32, #tpu.memory_space<hbm>> -> memref<640x20xi32, #tpu.memory_space<hbm>>
      tpu.enqueue_dma source(%arg8 : memref<640x20xi32, #tpu.memory_space<vmem>>) target(%dma_start3A_164 : memref<640x20xi32, #tpu.memory_space<hbm>>) target_semaphore(%run_scoped3A : memref<!tpu.dma_semaphore, #tpu.memory_space<semaphore_mem>>)
      %dma_wait3A_165 = arith.constant 0 : i32
      %dma_wait3A_166 = tpu.memref_slice %arg5[%mul3A_2, %dma_wait3A_165] : memref<20480x20xi32, #tpu.memory_space<hbm>> -> memref<640x20xi32, #tpu.memory_space<hbm>>
      %dma_wait3A_167 = arith.constant 0 : i32
      %dma_wait3A_168 = tpu.memref_slice %arg5[%mul3A_2, %dma_wait3A_167] : memref<20480x20xi32, #tpu.memory_space<hbm>> -> memref<640x20xi32, #tpu.memory_space<hbm>>
      tpu.wait_dma2 semaphore(%run_scoped3A : memref<!tpu.dma_semaphore, #tpu.memory_space<semaphore_mem>>) src(%arg8 : memref<640x20xi32, #tpu.memory_space<vmem>>) dst(%dma_wait3A_168 : memref<640x20xi32, #tpu.memory_space<hbm>>)
      tpu.yield
    }) : () -> ()
    "tpu.region"() ({
      %run_scoped3A = tpu.sem_alloc : memref<!tpu.dma_semaphore, #tpu.memory_space<semaphore_mem>>
      %dma_start3A_161 = arith.constant 0 : i32
      %dma_start3A_162 = tpu.memref_slice %arg6[%mul3A_2, %dma_start3A_161] : memref<20480x20xi32, #tpu.memory_space<hbm>> -> memref<640x20xi32, #tpu.memory_space<hbm>>
      %dma_start3A_163 = arith.constant 0 : i32
      %dma_start3A_164 = tpu.memref_slice %arg6[%mul3A_2, %dma_start3A_163] : memref<20480x20xi32, #tpu.memory_space<hbm>> -> memref<640x20xi32, #tpu.memory_space<hbm>>
      tpu.enqueue_dma source(%arg9 : memref<640x20xi32, #tpu.memory_space<vmem>>) target(%dma_start3A_164 : memref<640x20xi32, #tpu.memory_space<hbm>>) target_semaphore(%run_scoped3A : memref<!tpu.dma_semaphore, #tpu.memory_space<semaphore_mem>>)
      %dma_wait3A_165 = arith.constant 0 : i32
      %dma_wait3A_166 = tpu.memref_slice %arg6[%mul3A_2, %dma_wait3A_165] : memref<20480x20xi32, #tpu.memory_space<hbm>> -> memref<640x20xi32, #tpu.memory_space<hbm>>
      %dma_wait3A_167 = arith.constant 0 : i32
      %dma_wait3A_168 = tpu.memref_slice %arg6[%mul3A_2, %dma_wait3A_167] : memref<20480x20xi32, #tpu.memory_space<hbm>> -> memref<640x20xi32, #tpu.memory_space<hbm>>
      tpu.wait_dma2 semaphore(%run_scoped3A : memref<!tpu.dma_semaphore, #tpu.memory_space<semaphore_mem>>) src(%arg9 : memref<640x20xi32, #tpu.memory_space<vmem>>) dst(%dma_wait3A_168 : memref<640x20xi32, #tpu.memory_space<hbm>>)
      tpu.yield
    }) : () -> ()
    return
  }
}

module attributes {stable_mosaic.version = 14 : i64} {
  func.func @_eproj_body(%arg0: i32, %arg1: memref<4000x32xf32, #tpu.memory_space<vmem>>, %arg2: memref<32x64xf32, #tpu.memory_space<vmem>>, %arg3: memref<4000x64xf32, #tpu.memory_space<vmem>>) attributes {dimension_semantics = [#tpu.dimension_semantics<arbitrary>], iteration_bounds = array<i64: 25>, scalar_prefetch = 0 : i64, scratch_operands = 0 : i64, tpu.core_type = #tpu.core_type<tc>, window_params = [{transform_indices = @transform_0, window_bounds = array<i64: 4000, 32>}, {pipeline_mode = #tpu.pipeline_mode<synchronous>, transform_indices = @transform_1, window_bounds = array<i64: 32, 64>}, {transform_indices = @transform_2, window_bounds = array<i64: 4000, 64>}]} {
    %get3A = arith.constant 0 : index
    %get3A_0 = arith.constant 0 : index
    %get3A_1 = vector.load %arg1[%get3A, %get3A_0] : memref<4000x32xf32, #tpu.memory_space<vmem>>, vector<4000x32xf32>
    %get3A_2 = arith.constant 0 : index
    %get3A_3 = arith.constant 0 : index
    %get3A_4 = vector.load %arg2[%get3A_2, %get3A_3] : memref<32x64xf32, #tpu.memory_space<vmem>>, vector<32x64xf32>
    %dot_general3A = arith.constant dense<0.000000e+00> : vector<4000x64xf32>
    %dot_general3A_5 = tpu.matmul %get3A_1, %get3A_4, %dot_general3A {dimension_numbers = #tpu.dot_dimension_numbers<[1], [0], [0], [1], [0, 0, 1, 1], [], []>, transpose_lhs_hint = false} : vector<4000x32xf32>, vector<32x64xf32>, vector<4000x64xf32> -> vector<4000x64xf32>
    %swap3A = arith.constant 0 : index
    %swap3A_6 = arith.constant 0 : index
    %swap3A_7 = vector.load %arg3[%swap3A, %swap3A_6] : memref<4000x64xf32, #tpu.memory_space<vmem>>, vector<4000x64xf32>
    tpu.vector_store %arg3[%swap3A, %swap3A_6], %dot_general3A_5 {strides = array<i32>} : memref<4000x64xf32, #tpu.memory_space<vmem>>, vector<4000x64xf32>,
    return
  }
  func.func @transform_0(%arg0: i32) -> (i32, i32) {
    %c0_i32 = arith.constant 0 : i32
    %c0_i32_0 = arith.constant 0 : i32
    return %arg0, %c0_i32 : i32, i32
  }
  func.func @transform_1(%arg0: i32) -> (i32, i32) {
    %c0_i32 = arith.constant 0 : i32
    %c0_i32_0 = arith.constant 0 : i32
    %c0_i32_1 = arith.constant 0 : i32
    return %c0_i32, %c0_i32_0 : i32, i32
  }
  func.func @transform_2(%arg0: i32) -> (i32, i32) {
    %c0_i32 = arith.constant 0 : i32
    %c0_i32_0 = arith.constant 0 : i32
    return %arg0, %c0_i32 : i32, i32
  }
}

module attributes {stable_mosaic.version = 14 : i64} {
  func.func @_pproj_body(%arg0: memref<1000x16xf32, #tpu.memory_space<vmem>>, %arg1: memref<16x64xf32, #tpu.memory_space<vmem>>, %arg2: memref<1x64xf32, #tpu.memory_space<vmem>>, %arg3: memref<1000x64xf32, #tpu.memory_space<vmem>>) attributes {dimension_semantics = [], scalar_prefetch = 0 : i64, scratch_operands = 0 : i64, tpu.core_type = #tpu.core_type<tc>} {
    %get3A = arith.constant 0 : index
    %get3A_0 = arith.constant 0 : index
    %get3A_1 = vector.load %arg0[%get3A, %get3A_0] : memref<1000x16xf32, #tpu.memory_space<vmem>>, vector<1000x16xf32>
    %get3A_2 = arith.constant 0 : index
    %get3A_3 = arith.constant 0 : index
    %get3A_4 = vector.load %arg1[%get3A_2, %get3A_3] : memref<16x64xf32, #tpu.memory_space<vmem>>, vector<16x64xf32>
    %dot_general3A = arith.constant dense<0.000000e+00> : vector<1000x64xf32>
    %dot_general3A_5 = tpu.matmul %get3A_1, %get3A_4, %dot_general3A {dimension_numbers = #tpu.dot_dimension_numbers<[1], [0], [0], [1], [0, 0, 1, 1], [], []>, transpose_lhs_hint = false} : vector<1000x16xf32>, vector<16x64xf32>, vector<1000x64xf32> -> vector<1000x64xf32>
    %get3A_6 = arith.constant 0 : index
    %get3A_7 = arith.constant 0 : index
    %get3A_8 = vector.load %arg2[%get3A_6, %get3A_7] : memref<1x64xf32, #tpu.memory_space<vmem>>, vector<1x64xf32>
    %add3A = vector.broadcast %get3A_8 : vector<1x64xf32> to vector<1000x64xf32>
    %add3A_9 = arith.addf %dot_general3A_5, %add3A : vector<1000x64xf32>
    %swap3A = arith.constant 0 : index
    %swap3A_10 = arith.constant 0 : index
    %swap3A_11 = vector.load %arg3[%swap3A, %swap3A_10] : memref<1000x64xf32, #tpu.memory_space<vmem>>, vector<1000x64xf32>
    tpu.vector_store %arg3[%swap3A, %swap3A_10], %add3A_9 {strides = array<i32>} : memref<1000x64xf32, #tpu.memory_space<vmem>>, vector<1000x64xf32>,
    return
  }
}

</mosaic_0001>

<sc_bundles>
// kernel: kernel.5.cloned.1.call-start
scs
__scs_entry_jumppad:
0x0: {  	(pc) =	sbr.rel $0x88, $3  }
0x1: {  	(tag) =	ssettag $0x0;
	lr =	simm.s32 $0x1  }
0x2: {  	[smem:$0x3F9A] =	sst lr;
	_ =	strace $0xD0000000  }
0x3: {  	_ = 	snop  }
0x4: {  	_ = 	snop  }
0x5: {  	_ = 	snop  }
0x6: {  	_ = 	snop  }
0x7: {  	_ = 	snop  }
__scs_overlays_trampoline_lowered:
0x8: {  	[smem:$0x3FA9] =	sst s0  }
0x9: {  	[smem:$0x3FAA] =	sst s1  }
0xa: {  	[smem:$0x3FAB] =	sst s2  }
0xb: {  	[smem:$0x3FAC] =	sst s3  }
0xc: {  	[smem:$0x3FAD] =	sst s4  }
0xd: {  	[smem:$0x3FAE] =	sst s5  }
0xe: {  	[smem:$0x3FAF] =	sst s6  }
0xf: {  	[smem:$0x3FB0] =	sst s7  }
0x10: {  	[smem:$0x3FB1] =	sst s8  }
0x11: {  	[smem:$0x3FB2] =	sst s9;
	s0 =	simm.s32 @!p0 $0x0  }
0x12: {  	s1 =	sld [smem:$0x3F98];
	s0 =	simm.s32 @p0 $0x1  }
0x13: {  	[smem:$0x3FB3] =	sst s0;
	s0 =	simm.s32 @!p1 $0x0  }
0x14: {  	s2 =	sld [smem:$0x3F97];
	s0 =	simm.s32 @p1 $0x1  }
0x15: {  	[smem:$0x3FB4] =	sst s0;
	s0 =	simm.s32 @!p2 $0x0  }
0x16: {  	s3 =	sld [smem:$0x3FDB];
	s0 =	simm.s32 @p2 $0x1  }
0x17: {  	s4 =	simm.s32 $0x1BF5;
	[smem:$0x3FB6] =	sst s0  }
0x18: {  	s0 =	sld [smem:$0x3F99];
	_ =	swait.ge [sflag:s4], $0x0  }
0x19: {  	s7 =	sld [smem:$0x3F9A]  }
0x1a: {  	s8 =	sadd.s32 $0xFFFFE003, lr  }
0x1b: {  	s9 =	sadd.s32 $0xFFFFFEF7, lr;
	s5 =	simm.s32 $0xFFFFFFFF;
	p2 =	slt.u32 s8, $0xFFFFF086  }
0x1c: {  	p1 =	slt.u32 s9, $0xF7A;
	s5 =	simm.s32 @!p2 $0x0  }
0x1d: {  	s5 =	simm.s32 @p1 $0x1;
	p0 =	seq.s32 s7, s2  }
0x1e: {  	s7 =	smul.u32 @!p0 $0xF7A, s2;
	p2 =	seq.s32 @!p0 s5, $0x0  }
0x1f: {  	s9 =	smul.u32 $0xF7A, s1;
	s8 =	simm.s32 @!p0 $0x1BF5;
	p2 =	por !p2, p0  }
0x20: {  	[sflag:s8] =	ssyncset.s32 @!p0 $0xFFFFF086;
	s6 =	sadd.s32 @!p0 s3, s7;
	s7 =	simm.s32 @!p0 $0x108  }
0x21: {  	s3 =	sadd.s32 s3, s9;
	s6 =	sadd.s32 @!p0 $0x88, s6;
	s7 =	simm.s32 @p2 $0x1082  }
0x22: {  	[simem:s7], [sflag:s8] =	dma.local @!p0 [hbm:s6], $0xF7A  }
0x23: {  	s9 =	sor.u32 $0xD0000000, s2;
	s6 =	simm.s32 $0x108;
	_ =	swait.ge @!p0 [sflag:s8], $0x0  }
0x24: {  	s3 =	sadd.s32 $0x88, s3;
	s6 =	simm.s32 @!p1 $0x1082;
	[sflag:s4] =	ssyncset.s32 $0xFFFFF086  }
0x25: {  	[simem:s6], [sflag:s4] =	dma.local [hbm:s3], $0xF7A  }
0x26: {  	[smem:$0x3F9A] =	sst s1;
	(tag) =	ssettag s2;
	_ =	strace s9  }
0x27: {  	s1 =	sld [smem:$0x3FAA]  }
0x28: {  	s2 =	sld [smem:$0x3FAB]  }
0x29: {  	s4 =	sld [smem:$0x3FAD]  }
0x2a: {  	p0 =	seq.s32 s5, $0x0;
	s5 =	sld [smem:$0x3FAE]  }
0x2b: {  	s6 =	sld [smem:$0x3FAF]  }
0x2c: {  	s7 =	sld [smem:$0x3FB0]  }
0x2d: {  	s3 =	simm.s32 $0x108;
	s8 =	sld [smem:$0x3FB1]  }
0x2e: {  	s3 =	simm.s32 @!p0 $0x1082;
	s9 =	sld [smem:$0x3FB2]  }
0x2f: {  	lr =	sadd.s32 s0, s3;
	s0 =	sld [smem:$0x3FA9]  }
0x30: {  	s3 =	sld [smem:$0x3FAC]  }
0x31: {  	[smem:$0x3FB5] =	sst s10  }
0x32: {  	s10 =	sld [smem:$0x3FB3];
	_ =	sdelay $0x3  }
0x33: {  	p0 =	seq.s32 s10, $0x1;
	s10 =	sld [smem:$0x3FB5];
	_ =	sdelay $0x3  }
0x34: {  	[smem:$0x3FB5] =	sst s10  }
0x35: {  	s10 =	sld [smem:$0x3FB4];
	_ =	sdelay $0x3  }
0x36: {  	p1 =	seq.s32 s10, $0x1;
	s10 =	sld [smem:$0x3FB5];
	_ =	sdelay $0x3  }
0x37: {  	[smem:$0x3FB5] =	sst s10  }
0x38: {  	s10 =	sld [smem:$0x3FB6]  }
0x39: {  	_ = 	snop;
	(pc) =	sbr.ind lr, $3  }
0x3a: {  	_ = 	snop  }
0x3b: {  	_ = 	snop  }
0x3c: {  	p2 =	seq.s32 s10, $0x1;
	s10 =	sld [smem:$0x3FB5]  }
0x3d: {  	_ =	shalt  }
0x3e: {  	_ =	shalt  }
0x3f: {  	_ =	shalt  }
0x40: {  	_ =	shalt  }
0x41: {  	_ =	shalt  }
0x42: {  	_ =	shalt  }
0x43: {  	_ =	shalt  }
0x44: {  	_ =	shalt  }
0x45: {  	_ =	shalt  }
0x46: {  	_ =	shalt  }
0x47: {  	_ =	shalt  }
0x48: {  	_ =	shalt  }
0x49: {  	_ =	shalt  }
0x4a: {  	_ =	shalt  }
0x4b: {  	_ =	shalt  }
0x4c: {  	_ =	shalt  }
0x4d: {  	_ =	shalt  }
0x4e: {  	_ =	shalt  }
0x4f: {  	_ =	shalt  }
0x50: {  	_ =	shalt  }
0x51: {  	_ =	shalt  }
0x52: {  	_ =	shalt  }
0x53: {  	_ =	shalt  }
0x54: {  	_ =	shalt  }
0x55: {  	_ =	shalt  }
0x56: {  	_ =	shalt  }
0x57: {  	_ =	shalt  }
0x58: {  	_ =	shalt  }
0x59: {  	_ =	shalt  }
0x5a: {  	_ =	shalt  }
0x5b: {  	_ =	shalt  }
0x5c: {  	_ =	shalt  }
0x5d: {  	_ =	shalt  }
0x5e: {  	_ =	shalt  }
0x5f: {  	_ =	shalt  }
0x60: {  	_ =	shalt  }
0x61: {  	_ =	shalt  }
0x62: {  	_ =	shalt  }
0x63: {  	_ =	shalt  }
0x64: {  	_ =	shalt  }
0x65: {  	_ =	shalt  }
0x66: {  	_ =	shalt  }
0x67: {  	_ =	shalt  }
0x68: {  	_ =	shalt  }
0x69: {  	_ =	shalt  }
0x6a: {  	_ =	shalt  }
0x6b: {  	_ =	shalt  }
0x6c: {  	_ =	shalt  }
0x6d: {  	_ =	shalt  }
0x6e: {  	_ =	shalt  }
0x6f: {  	_ =	shalt  }
0x70: {  	_ =	shalt  }
0x71: {  	_ =	shalt  }
0x72: {  	_ =	shalt  }
0x73: {  	_ =	shalt  }
0x74: {  	_ =	shalt  }
0x75: {  	_ =	shalt  }
0x76: {  	_ =	shalt  }
0x77: {  	_ =	shalt  }
0x78: {  	_ =	shalt  }
0x79: {  	_ =	shalt  }
0x7a: {  	_ =	shalt  }
0x7b: {  	_ =	shalt  }
0x7c: {  	_ =	shalt  }
0x7d: {  	_ =	shalt  }
0x7e: {  	_ =	shalt  }
0x7f: {  	_ =	shalt  }
0x80: {  	_ =	shalt  }
0x81: {  	_ =	shalt  }
0x82: {  	_ =	shalt  }
0x83: {  	_ =	shalt  }
0x84: {  	_ =	shalt  }
0x85: {  	_ =	shalt  }
0x86: {  	_ =	shalt  }
0x87: {  	_ =	shalt  }
.Lfunc_end0:
.L_simem_size_0:
called_computation_lowered:
.L_overlay_start_0:
0x88: {  	s2 =	sld [smem:$0x3FD9]  }
0x89: {  	s3 =	sld [smem:$0x3FFE];
	_ =	sdelay $0x1  }
0x8a: {  	s1 =	srdreg.scid  }
0x8b: {  	s0 =	sand.u32 $0x1, s1  }
0x8c: {  	s17 =	sshll.u32 s0, $0xA;
	s2 =	sadd.s32 s3, s2  }
0x8d: {  	s2 =	sadd.s32 s2, s17  }
0x8e: {  	[smem:$0x3FC1] =	sst s2  }
0x8f: {  	_ = 	snop  }
0x90: {  	s2 =	sld [smem:$0x3FD0];
	(tm) =	ssettm $0x1  }
0x91: {  	s18 =	sld [smem:$0x3FFB];
	_ =	sdelay $0x3  }
0x92: {  	_ =	strace s18  }
0x93: {  	s3 =	sld [smem:$0x3FFC];
	_ =	sdelay $0x3  }
0x94: {  	_ =	strace s3  }
0x95: {  	s3 =	sld [smem:$0x3FFD];
	_ =	sdelay $0x3  }
0x96: {  	_ =	strace s3  }
0x97: {  	_ =	strace $0x8FFFFFFF  }
0x98: {  	s19 =	sld [smem:$0x3FDB];
	_ =	sdelay $0x1  }
0x99: {  	s4 =	simm.s32 $_scs_section_size  }
0x9a: {  	s5 =	simm.s32 $_size__tile_overlayer_lowered;
	s6 =	simm.s32 $_tile_overlayer_lowered  }
0x9b: {  	s22 =	simm.s32 $0x1BFF;
	s21 =	sshll.u32 s6, $0x1;
	s3 =	sadd.s32 s4, s19  }
0x9c: {  	s7 =	simm.s32 $0x0;
	s20 =	sshll.u32 s5, $0x1;
	s5 =	sadd.s32 s21, s3  }
0x9d: {  	[timem:s7], [sflag:s22] =	dma.local [hbm:s5], s20  }
0x9e: {  	_ =	swait.ge [sflag:s22], s20  }
0x9f: {  	s4 =	ssub.s32 $0x0, s20;
	[sflag:s22] =	ssyncset.done $0x0  }
0xa0: {  	[sflag:s22] =	ssyncadd.s32 s4;
	_ =	sdelay $0x1  }
0xa1: {  	s23 =	simm.s32 $0x1B8B  }
0xa2: {  	_ =	swait.ge [sflag:s23], $0x1  }
0xa3: {  	[sflag:s23] =	ssyncset.done $0x0  }
0xa4: {  	s25 =	simm.s32 $0x1B8E;
	s24 =	sld [smem:$0x3FFE];
	[sflag:s23] =	ssyncadd.s32 $0xFFFFFFFF  }
0xa5: {  	s26 =	simm.s32 $execute0_lowered;
	[smem:$0x3FD2] =	sst s25  }
0xa6: {  	s5 =	sshll.u32 s26, $0x1;
	_ =	strace $0x80000046;
	[dreg:$0x1] =	wrdreg $0xFFFFFFFF  }
0xa7: {  	s28 =	simm.s32 $_size_execute0_lowered;
	s3 =	sadd.s32 s3, s5;
	[dreg:$0x0] =	wrdreg $0x0  }
0xa8: {  	s5 =	sshll.u32 s28, $0x1;
	[dreg:$0x2] =	wrdreg s3  }
0xa9: {  	[dreg:$0x3] =	wrdreg s5  }
0xaa: {  	[dreg:$0x4] =	wrdreg $0xC0  }
0xab: {  	_ =	task [dreg:s7], $0x5FFFF  }
0xac: {  	[dreg:$0x1] =	wrdreg $0xFFFFFFFF  }
0xad: {  	[dreg:$0x0] =	wrdreg $0x60  }
0xae: {  	[dreg:$0x2] =	wrdreg s24  }
0xaf: {  	[dreg:$0x3] =	wrdreg s2  }
0xb0: {  	[dreg:$0x4] =	wrdreg $0x9  }
0xb1: {  	_ =	task.clear_ibuf [dreg:s7], $0x5FFFF;
	_ =	strace $0x90000046  }
0xb2: {  	s29 =	simm.s32 $0x9;
	_ =	strace $0x80000048  }
0xb3: {  	_ =	swait.ge [sflag:s29], $0x1  }
0xb4: {  	[sflag:s29] =	ssyncadd.s32 $0xFFFFFFFF  }
0xb5: {  	_ =	strace $0x90000048  }
0xb6: {  	_ =	sfence  }
0xb7: {  	s30 =	sld [smem:$0x0];
	_ =	sdelay $0x2  }
0xb8: {  	s31 =	sshll.u32 s1, $0xD;
	s1 =	sshrl.u32 s1, $0x2  }
0xb9: {  	s3 =	sand.u32 $0x4000, s31;
	s1 =	sadd.s32 s1, s30  }
0xba: {  	s0 =	sor.u32 s3, s0;
	s1 =	sshll.u32 s1, $0x11  }
0xbb: {  	s0 =	sor.u32 s1, s0  }
0xbc: {  	s0 =	sadd.s32 $0x8F2B, s0  }
0xbd: {  	[sflag:s0] =	ssyncadd.remote.s32 $0x1  }
0xbe: {  	_ =	sfence.sel $0xFFFF  }
0xbf: {  	[dreg:$0x0] =	wrdreg $0xFFFFFFFF;
	(pc) =	sbr.abs _section_cstart, $3  }
0xc0: {  	[dreg:$0x1] =	wrdreg $0xFFFFFFFF  }
0xc1: {  	_ =	task.clear_ibuf [dreg:s7], $0x2FFFF;
	_ =	strace $0x9FFFFFFF  }
0xc2: {  	(tm) =	ssettm $0x7FFFFFFF  }
0xc3: {  	_ =	shalt  }
tec
execute0_lowered:
.L_overlay_start_1:
0x0: {  	(tag) =	ssettag $0x1  }
0x1: {  	s1 =	srdreg.scid;
	s0 =	stileid.u32  }
0x2: {  	s22 =	sand.u32 $0x1, s1;
	s30 =	sshll.u32 s0, $0x1  }
0x3: {  	s23 =	rddreg [dreg:$0x0];
	s25 =	sor.u32 s22, s30  }
0x4: {  	s24 =	rddreg [dreg:$0x1];
	s3 =	smul.u32 $0x50, s25  }
0x5: {  	s2 =	simm.s32 $0x0;
	s1 =	rddreg [dreg:$0x2]  }
0x6: {  	[smem:$0x7FF] =	sst s2;
	s3 =	sadd.s32 s3, s23  }
0x7: {  	_ =	strace $0x80000047;
	s4 =	sadd.s32 $0x3400, s3;
	s3 =	simm.s32 $0x2  }
0x8: {  	[tilespmem:s2], [sflag:$0x2] =	stream.linear.gather [hbm4b:s4+s2], $0x280, $0x38;
	[tilespmem:$0x7A80] =	vst v63  }
0x9: {  	_ =	swait.ge [sflag:s3], $0x280  }
0xa: {  	s6 =	simm.s32 $0x80;
	[sflag:s3] =	ssyncset.done $0x0  }
0xb: {  	s7 =	simm.s32 $0x280;
	s5 =	sadd.s32 $0x3E00, s23;
	[sflag:s3] =	ssyncadd.s32 $0xFFFFFD80  }
0xc: {  	[tilespmem:s7], [sflag:$0x1] =	stream.indirect.gather [hbm4b:s5+s6], $0x14, s2, s6, $0xb8;
	[tilespmem:$0x7A80] =	vst v63  }
0xd: {  	s9 =	simm.s32 $0x3E80;
	s8 =	sadd.s32 $0x4D200, s23  }
0xe: {  	[tilespmem:s9], [sflag:$0x1] =	stream.indirect.gather [hbm4b:s8+s6], $0x14, s2, s6, $0xb8;
	[tilespmem:$0x7A80] =	vst v63  }
0xf: {  	s10 =	simm.s32 $0xE80  }
0x10: {  	[tilespmem:s10], [sflag:$0x1] =	stream.indirect.gather [hbm4b:s5+s6], $0x14, s6, s6, $0xb8;
	[tilespmem:$0x7A80] =	vst v63  }
0x11: {  	s11 =	simm.s32 $0x4A80  }
0x12: {  	[tilespmem:s11], [sflag:$0x1] =	stream.indirect.gather [hbm4b:s8+s6], $0x14, s6, s6, $0xb8;
	[tilespmem:$0x7A80] =	vst v63  }
0x13: {  	s12 =	simm.s32 $0x100;
	s13 =	simm.s32 $0x1A80  }
0x14: {  	[tilespmem:s13], [sflag:$0x1] =	stream.indirect.gather [hbm4b:s5+s6], $0x14, s12, s6, $0xb8;
	[tilespmem:$0x7A80] =	vst v63  }
0x15: {  	s14 =	simm.s32 $0x5680  }
0x16: {  	[tilespmem:s14], [sflag:$0x1] =	stream.indirect.gather [hbm4b:s8+s6], $0x14, s12, s6, $0xb8;
	[tilespmem:$0x7A80] =	vst v63  }
0x17: {  	s15 =	simm.s32 $0x180;
	s16 =	simm.s32 $0x2680  }
0x18: {  	[tilespmem:s16], [sflag:$0x1] =	stream.indirect.gather [hbm4b:s5+s6], $0x14, s15, s6, $0xb8;
	[tilespmem:$0x7A80] =	vst v63  }
0x19: {  	s17 =	simm.s32 $0x6280  }
0x1a: {  	[tilespmem:s17], [sflag:$0x1] =	stream.indirect.gather [hbm4b:s8+s6], $0x14, s15, s6, $0xb8;
	[tilespmem:$0x7A80] =	vst v63  }
0x1b: {  	s18 =	simm.s32 $0x200;
	s19 =	simm.s32 $0x3280  }
0x1c: {  	[tilespmem:s19], [sflag:$0x1] =	stream.indirect.gather [hbm4b:s5+s6], $0x14, s18, s6, $0xb8;
	[tilespmem:$0x7A80] =	vst v63  }
0x1d: {  	s20 =	simm.s32 $0x6E80;
	s21 =	simm.s32 $0x1  }
0x1e: {  	[tilespmem:s20], [sflag:$0x1] =	stream.indirect.gather [hbm4b:s8+s6], $0x14, s18, s6, $0xb8;
	[tilespmem:$0x7A80] =	vst v63  }
0x1f: {  	_ =	swait.ge [sflag:s21], $0xA00  }
0x20: {  	[sflag:s21] =	ssyncset.done $0x0  }
0x21: {  	[sflag:s21] =	ssyncadd.s32 $0xFFFFF600  }
0x22: {  	_ =	swait.ge [sflag:s21], $0xA00  }
0x23: {  	[sflag:s21] =	ssyncset.done $0x0  }
0x24: {  	[sflag:s21] =	ssyncadd.s32 $0xFFFFF600  }
0x25: {  	_ =	swait.ge [sflag:s21], $0xA00  }
0x26: {  	[sflag:s21] =	ssyncset.done $0x0  }
0x27: {  	[sflag:s21] =	ssyncadd.s32 $0xFFFFF600  }
0x28: {  	_ =	swait.ge [sflag:s21], $0xA00  }
0x29: {  	[sflag:s21] =	ssyncset.done $0x0  }
0x2a: {  	[sflag:s21] =	ssyncadd.s32 $0xFFFFF600  }
0x2b: {  	_ =	swait.ge [sflag:s21], $0xA00  }
0x2c: {  	[sflag:s21] =	ssyncset.done $0x0  }
0x2d: {  	[sflag:s21] =	ssyncadd.s32 $0xFFFFF600  }
0x2e: {  	_ =	swait.ge [sflag:s21], $0xA00  }
0x2f: {  	[sflag:s21] =	ssyncset.done $0x0  }
0x30: {  	[sflag:s21] =	ssyncadd.s32 $0xFFFFF600  }
0x31: {  	_ =	swait.ge [sflag:s21], $0xA00  }
0x32: {  	[sflag:s21] =	ssyncset.done $0x0  }
0x33: {  	[sflag:s21] =	ssyncadd.s32 $0xFFFFF600  }
0x34: {  	_ =	swait.ge [sflag:s21], $0xA00  }
0x35: {  	[sflag:s21] =	ssyncset.done $0x0  }
0x36: {  	[sflag:s21] =	ssyncadd.s32 $0xFFFFF600  }
0x37: {  	_ =	swait.ge [sflag:s21], $0xA00  }
0x38: {  	[sflag:s21] =	ssyncset.done $0x0  }
0x39: {  	s26 =	ssub.s32 $0x2, s22;
	s25 =	smul.u32 $0x780, s25;
	[sflag:s21] =	ssyncadd.s32 $0xFFFFF600  }
0x3a: {  	s31 =	sshrl.u32 s26, $0x1;
	_ =	swait.ge [sflag:s21], $0xA00  }
0x3b: {  	s22 =	sadd.s32 s24, s25;
	s24 =	ssub.s32 s26, s31;
	[sflag:s21] =	ssyncset.done $0x0  }
0x3c: {  	s24 =	smax.u32 s24, $0x1;
	[sflag:s21] =	ssyncadd.s32 $0xFFFFF600  }
0x3d: {  	[hbm4b:s22+s2] =	stream.linear.scatter [tilespmem:s7], [sflag:$0x2], $0x3C00, $0x38;
	[tilespmem:$0x7A80] =	vst v63  }
0x3e: {  	p0 =	sne.s32 s24, $0x1;
	_ =	swait.ge [sflag:s3], $0x3C00  }
.Ltmp0:
0x3f: {  	s23 =	sadd.s32 s25, s23;
	[sflag:s3] =	ssyncset.done $0x0;
	(pc) =	sbr.rel @!p0 .LBB2_2-.Ltmp0, $4  }
0x40: {  	s23 =	sadd.s32 $0x96600, s23;
	[sflag:s3] =	ssyncadd.s32 $0xFFFFC400  }
0x41: {  	[hbm4b:s23+s2] =	stream.linear.scatter [tilespmem:s9], [sflag:$0x2], $0x3C00, $0x38;
	[tilespmem:$0x7A80] =	vst v63  }
0x42: {  	_ =	swait.ge [sflag:s3], $0x3C00  }
0x43: {  	s24 =	sadd.s32 $0xFFFFFFFF, s24;
	[sflag:s3] =	ssyncset.done $0x0  }
.LBB2_1:
0x44: {  	p0 =	sne.s32 s24, $0x1;
	s24 =	sadd.s32 $0xFFFFFFFF, s24;
	[sflag:s3] =	ssyncadd.s32 $0xFFFFC400  }
0x45: {  	[tilespmem:s2], [sflag:$0x2] =	stream.linear.gather [hbm4b:s4+s2], $0x280, $0x38;
	[tilespmem:$0x7A80] =	vst v63  }
0x46: {  	_ =	swait.ge [sflag:s3], $0x280  }
0x47: {  	[sflag:s3] =	ssyncset.done $0x0  }
0x48: {  	[sflag:s3] =	ssyncadd.s32 $0xFFFFFD80  }
0x49: {  	[tilespmem:s7], [sflag:$0x1] =	stream.indirect.gather [hbm4b:s5+s6], $0x14, s2, s6, $0xb8;
	[tilespmem:$0x7A80] =	vst v63  }
0x4a: {  	_ = 	snop  }
0x4b: {  	[tilespmem:s9], [sflag:$0x1] =	stream.indirect.gather [hbm4b:s8+s6], $0x14, s2, s6, $0xb8;
	[tilespmem:$0x7A80] =	vst v63  }
0x4c: {  	_ = 	snop  }
0x4d: {  	[tilespmem:s10], [sflag:$0x1] =	stream.indirect.gather [hbm4b:s5+s6], $0x14, s6, s6, $0xb8;
	[tilespmem:$0x7A80] =	vst v63  }
0x4e: {  	_ = 	snop  }
0x4f: {  	[tilespmem:s11], [sflag:$0x1] =	stream.indirect.gather [hbm4b:s8+s6], $0x14, s6, s6, $0xb8;
	[tilespmem:$0x7A80] =	vst v63  }
0x50: {  	_ = 	snop  }
0x51: {  	[tilespmem:s13], [sflag:$0x1] =	stream.indirect.gather [hbm4b:s5+s6], $0x14, s12, s6, $0xb8;
	[tilespmem:$0x7A80] =	vst v63  }
0x52: {  	_ = 	snop  }
0x53: {  	[tilespmem:s14], [sflag:$0x1] =	stream.indirect.gather [hbm4b:s8+s6], $0x14, s12, s6, $0xb8;
	[tilespmem:$0x7A80] =	vst v63  }
0x54: {  	_ = 	snop  }
0x55: {  	[tilespmem:s16], [sflag:$0x1] =	stream.indirect.gather [hbm4b:s5+s6], $0x14, s15, s6, $0xb8;
	[tilespmem:$0x7A80] =	vst v63  }
0x56: {  	_ = 	snop  }
0x57: {  	[tilespmem:s17], [sflag:$0x1] =	stream.indirect.gather [hbm4b:s8+s6], $0x14, s15, s6, $0xb8;
	[tilespmem:$0x7A80] =	vst v63  }
0x58: {  	_ = 	snop  }
0x59: {  	[tilespmem:s19], [sflag:$0x1] =	stream.indirect.gather [hbm4b:s5+s6], $0x14, s18, s6, $0xb8;
	[tilespmem:$0x7A80] =	vst v63  }
0x5a: {  	_ = 	snop  }
0x5b: {  	[tilespmem:s20], [sflag:$0x1] =	stream.indirect.gather [hbm4b:s8+s6], $0x14, s18, s6, $0xb8;
	[tilespmem:$0x7A80] =	vst v63  }
0x5c: {  	_ =	swait.ge [sflag:s21], $0xA00  }
0x5d: {  	[sflag:s21] =	ssyncset.done $0x0  }
0x5e: {  	[sflag:s21] =	ssyncadd.s32 $0xFFFFF600  }
0x5f: {  	_ =	swait.ge [sflag:s21], $0xA00  }
0x60: {  	[sflag:s21] =	ssyncset.done $0x0  }
0x61: {  	[sflag:s21] =	ssyncadd.s32 $0xFFFFF600  }
0x62: {  	_ =	swait.ge [sflag:s21], $0xA00  }
0x63: {  	[sflag:s21] =	ssyncset.done $0x0  }
0x64: {  	[sflag:s21] =	ssyncadd.s32 $0xFFFFF600  }
0x65: {  	_ =	swait.ge [sflag:s21], $0xA00  }
0x66: {  	[sflag:s21] =	ssyncset.done $0x0  }
0x67: {  	[sflag:s21] =	ssyncadd.s32 $0xFFFFF600  }
0x68: {  	_ =	swait.ge [sflag:s21], $0xA00  }
0x69: {  	[sflag:s21] =	ssyncset.done $0x0  }
0x6a: {  	[sflag:s21] =	ssyncadd.s32 $0xFFFFF600  }
0x6b: {  	_ =	swait.ge [sflag:s21], $0xA00  }
0x6c: {  	[sflag:s21] =	ssyncset.done $0x0  }
0x6d: {  	[sflag:s21] =	ssyncadd.s32 $0xFFFFF600  }
0x6e: {  	_ =	swait.ge [sflag:s21], $0xA00  }
0x6f: {  	[sflag:s21] =	ssyncset.done $0x0  }
0x70: {  	[sflag:s21] =	ssyncadd.s32 $0xFFFFF600  }
0x71: {  	_ =	swait.ge [sflag:s21], $0xA00  }
0x72: {  	[sflag:s21] =	ssyncset.done $0x0  }
0x73: {  	[sflag:s21] =	ssyncadd.s32 $0xFFFFF600  }
0x74: {  	_ =	swait.ge [sflag:s21], $0xA00  }
0x75: {  	[sflag:s21] =	ssyncset.done $0x0  }
0x76: {  	[sflag:s21] =	ssyncadd.s32 $0xFFFFF600  }
0x77: {  	_ =	swait.ge [sflag:s21], $0xA00  }
0x78: {  	[sflag:s21] =	ssyncset.done $0x0  }
0x79: {  	[sflag:s21] =	ssyncadd.s32 $0xFFFFF600  }
0x7a: {  	[hbm4b:s22+s2] =	stream.linear.scatter [tilespmem:s7], [sflag:$0x2], $0x3C00, $0x38;
	[tilespmem:$0x7A80] =	vst v63  }
0x7b: {  	_ =	swait.ge [sflag:s3], $0x3C00  }
.Ltmp1:
0x7c: {  	[sflag:s3] =	ssyncset.done $0x0;
	(pc) =	sbr.rel @p0 .LBB2_1-.Ltmp1, $4  }
0x7d: {  	[sflag:s3] =	ssyncadd.s32 $0xFFFFC400  }
0x7e: {  	[hbm4b:s23+s2] =	stream.linear.scatter [tilespmem:s9], [sflag:$0x2], $0x3C00, $0x38;
	[tilespmem:$0x7A80] =	vst v63  }
0x7f: {  	_ =	swait.ge [sflag:s3], $0x3C00  }
0x80: {  	[sflag:s3] =	ssyncset.done $0x0  }
.LBB2_2:
0x81: {  	[sflag:s3] =	ssyncadd.s32 $0xFFFFC400  }
0x82: {  	_ =	sfence.sel $0x180000  }
0x83: {  	[bflag:$0x0] =	sbarrier.arrive $0xFFFF  }
0x84: {  	p0 =	sne.s32 s0, $0x0;
	_ =	strace $0x90000047  }
0x85: {  	s0 =	sadd.s32 @!p0 $0x100000, s1;
	[bflag:$0x2] =	sbarrier.arrive $0xFFFF  }
0x86: {  	[sflag:s0] =	ssyncadd.tile.s32 @!p0 $0x1;
	_ =	shalt  }
.Lfunc_end2:
_tile_overlayer_lowered:
.L_overlay_start_2:
0x87: {  	(tag) =	ssettag $0x2  }
0x88: {  	s0 =	rddreg [dreg:$0x0];
	s2 =	stileid.u32  }
0x89: {  	s1 =	rddreg [dreg:$0x1];
	p0 =	sne.s32 s2, $0x0  }
0x8a: {  	s3 =	rddreg [dreg:$0x2];
	[bflag:$0x3] =	sbarrier.arrive $0xFFFF;
	s2 =	simm.s32 @!p0 $0x1C02  }
0x8b: {  	[timem:s3], [sflag:s2] =	dma.local @!p0 [hbm:s0], s1  }
0x8c: {  	s0 =	simm.s32 @!p0 $0x2  }
0x8d: {  	_ =	swait.ge @!p0 [sflag:s0], s1  }
0x8e: {  	s1 =	ssub.s32 @!p0 $0x0, s1;
	[sflag:s0] =	ssyncset.done @!p0 $0x0  }
0x8f: {  	[sflag:s0] =	ssyncadd.s32 @!p0 s1  }
0x90: {  	[bflag:$0x3] =	sbarrier.arrive $0xFFFF  }
0x91: {  	_ =	shalt  }

</sc_bundles>
